<compile_context>
chip_gen: v7x
topology: tpu7x:2x2x1
jax: 0.10.2.dev20260603
libtpu: 0.0.44.dev20260713+nightly
codegen_flags: <defaults>
</compile_context>

<pallas_src>
import functools

import jax
import jax.numpy as jnp
from jax import lax
from jax.experimental import pallas as pl
from jax.experimental.pallas import tpu as pltpu
from jax.experimental.pallas import tpu_sc as plsc

NC = 2
NS = 16
NW = NC * NS
CHUNK = 80


def _wid(cid, sid):
    return sid * NC + cid


def _deg_body(n_nodes, ew, col_hbm, zeros_hbm, out_hbm, idx_v, ones_v, acc_sh):
    cid = lax.axis_index("c")
    sid = lax.axis_index("s")
    wid = _wid(cid, sid)
    for j in range(CHUNK // 16):
        ones_v[pl.ds(j * 16, 16)] = jnp.ones((16,), jnp.float32)

    @pl.when(sid == 0)
    def _():
        pltpu.sync_copy(zeros_hbm, acc_sh)

    plsc.subcore_barrier()

    base = wid * ew

    def body(i, c):
        pltpu.sync_copy(col_hbm.at[pl.ds(base + i * CHUNK, CHUNK)], idx_v)
        pltpu.sync_copy(ones_v, acc_sh.at[idx_v], add=True)
        return c

    lax.fori_loop(0, ew // CHUNK, body, 0)
    plsc.subcore_barrier()

    @pl.when(sid == 0)
    def _():
        pltpu.sync_copy(acc_sh, out_hbm.at[cid])


def _agg_body(n_pad, d, ew, g_hbm, row_hbm, col_hbm, zeros_hbm, out_hbm,
              ridx_v, cidx_v, rows_v, acc_sh, sem):
    cid = lax.axis_index("c")
    sid = lax.axis_index("s")
    wid = _wid(cid, sid)
    rpt = n_pad // NS

    pltpu.sync_copy(zeros_hbm.at[pl.ds(sid * rpt, rpt)],
                    acc_sh.at[pl.ds(sid * rpt, rpt)])
    plsc.subcore_barrier()

    base = wid * ew

    def body(i, c):
        off = base + i * CHUNK
        pltpu.sync_copy(row_hbm.at[pl.ds(off, CHUNK)], ridx_v)
        pltpu.sync_copy(col_hbm.at[pl.ds(off, CHUNK)], cidx_v)
        pltpu.async_copy(g_hbm.at[ridx_v], rows_v, sem).wait()
        pltpu.sync_copy(rows_v, acc_sh.at[cidx_v], add=True)
        return c

    lax.fori_loop(0, ew // CHUNK, body, 0)
    plsc.subcore_barrier()

    pltpu.sync_copy(acc_sh.at[pl.ds(sid * rpt, rpt)],
                    out_hbm.at[cid, pl.ds(sid * rpt, rpt)])


def _dense_kernel(degp_ref, x_ref, w_ref, o_ref):
    degb = degp_ref[:, 0] + degp_ref[:, 1]
    dis = jnp.where(degb > 0, lax.rsqrt(degb), 0.0)
    h = jnp.dot(x_ref[...], w_ref[...], preferred_element_type=jnp.float32)
    o_ref[...] = h * dis[:, None]


def _final_kernel(degp_ref, part_ref, o_ref):
    degb = degp_ref[:, 0] + degp_ref[:, 1]
    dis = jnp.where(degb > 0, lax.rsqrt(degb), 0.0)
    s = part_ref[0] + part_ref[1]
    o_ref[...] = jnp.maximum(s * dis[:, None], 0.0)


def kernel(x, edge_index, W):
    n, d_in = x.shape
    d_out = W.shape[1]
    e = edge_index.shape[1]
    assert e % NW == 0 and n % NS == 0
    ew = e // NW
    assert ew % CHUNK == 0

    row = edge_index[0].astype(jnp.int32)
    col = edge_index[1].astype(jnp.int32)
    n_pad = ((n + 8 * NS - 1) // (8 * NS)) * (8 * NS)
    z1 = jnp.zeros((n,), jnp.float32)
    z2 = jnp.zeros((n_pad, d_out), jnp.float32)

    mesh = plsc.VectorSubcoreMesh(core_axis_name="c", subcore_axis_name="s")

    deg_call = functools.partial(
        pl.kernel,
        out_type=jax.ShapeDtypeStruct((NC, n), jnp.float32),
        mesh=mesh,
        scratch_types=[
            pltpu.VMEM((CHUNK,), jnp.int32),
            pltpu.VMEM((CHUNK,), jnp.float32),
            pltpu.VMEM_SHARED((n,), jnp.float32),
        ],
    )(functools.partial(_deg_body, n, ew))
    degp = deg_call(col, z1)
    degp_t = degp.T

    bn = 2000
    grid = n // bn
    g = pl.pallas_call(
        _dense_kernel,
        grid=(grid,),
        in_specs=[
            pl.BlockSpec((bn, NC), lambda i: (i, 0)),
            pl.BlockSpec((bn, d_in), lambda i: (i, 0)),
            pl.BlockSpec((d_in, d_out), lambda i: (0, 0)),
        ],
        out_specs=pl.BlockSpec((bn, d_out), lambda i: (i, 0)),
        out_shape=jax.ShapeDtypeStruct((n, d_out), jnp.float32),
    )(degp_t, x, W)

    agg_call = functools.partial(
        pl.kernel,
        out_type=jax.ShapeDtypeStruct((NC, n_pad, d_out), jnp.float32),
        mesh=mesh,
        scratch_types=[
            pltpu.VMEM((CHUNK,), jnp.int32),
            pltpu.VMEM((CHUNK,), jnp.int32),
            pltpu.VMEM((CHUNK, d_out), jnp.float32),
            pltpu.VMEM_SHARED((n_pad, d_out), jnp.float32),
            pltpu.SemaphoreType.DMA,
        ],
    )(functools.partial(_agg_body, n_pad, d_out, ew))
    part = agg_call(g, row, col, z2)

    out = pl.pallas_call(
        _final_kernel,
        grid=(grid,),
        in_specs=[
            pl.BlockSpec((bn, NC), lambda i: (i, 0)),
            pl.BlockSpec((NC, bn, d_out), lambda i: (0, i, 0)),
        ],
        out_specs=pl.BlockSpec((bn, d_out), lambda i: (i, 0)),
        out_shape=jax.ShapeDtypeStruct((n, d_out), jnp.float32),
    )(degp_t, part)
    return out

# --- scband reference (transcript-rebuilt; emitter-appended) ---
"""Pipeline reference for scband-graph-convolution-layer-59785944760390 (READ-ONLY COPY).

The authoritative reference and input builder live on the scoring server;
editing this copy changes nothing except your own understanding.
"""

import jax, jax.numpy as jnp
import numpy as np

N_NODES = 10000
N_EDGES = 320000
D_IN = 128
D_OUT = 128


def setup_inputs(seed: int = 0) -> dict:
    key = jax.random.key(seed)
    k1, k2, k3 = jax.random.split(key, 3)
    x = jax.random.normal(k1, (N_NODES, D_IN), dtype=jnp.float32)
    edge_index = jax.random.randint(k2, (2, N_EDGES), 0, N_NODES, dtype=jnp.int64)
    # GCNConv linear weight (no bias): glorot-style init, stored as [in, out]
    W = jax.random.normal(k3, (D_IN, D_OUT), dtype=jnp.float32) * (1.0 / np.sqrt(D_IN))
    return {"x": x, "edge_index": edge_index, "W": W}


def reference(x, edge_index, W):
    # GraphConvolutionLayer with conv='gcn', bias=False, add_self_loops=False,
    # bn=None, skip=False, activation=ReLU, training=None (no dropout).
    row = edge_index[0]  # source nodes
    col = edge_index[1]  # target nodes
    N = x.shape[0]
    # gcn_norm without self loops: deg over target nodes with unit edge weights
    deg = jnp.zeros((N,), dtype=x.dtype).at[col].add(jnp.ones((row.shape[0],), dtype=x.dtype))
    deg_inv_sqrt = jnp.where(deg > 0, deg ** -0.5, 0.0)
    norm = deg_inv_sqrt[row] * deg_inv_sqrt[col]
    # linear transform then propagate (scatter-add of normalized messages)
    h = x @ W
    msg = h[row] * norm[:, None]
    out = jnp.zeros((N, h.shape[1]), dtype=h.dtype).at[col].add(msg)
    # activation
    return jax.nn.relu(out)

if __name__ == "__main__":
    import jax
    _d = setup_inputs()
    print(jax.jit(kernel)(*tuple(_d.values())))

</pallas_src>

<mosaic_0001>
#map = affine_map<(d0, d1) -> (0, 0)>
#map1 = affine_map<(d0, d1) -> (0)>
#map2 = affine_map<(d0, d1) -> (0, 0, 0)>
module attributes {stable_mosaic.version = 14 : i64} {
  func.func @_agg_body(%arg0: i32, %arg1: i32, %arg2: memref<10000x128xf32, #tpu.memory_space<hbm>>, %arg3: memref<320000xi32, #tpu.memory_space<hbm>>, %arg4: memref<320000xi32, #tpu.memory_space<hbm>>, %arg5: memref<10112x128xf32, #tpu.memory_space<hbm>>, %arg6: memref<2x10112x128xf32, #tpu.memory_space<hbm>>, %arg7: memref<80xi32, #tpu.memory_space<vmem>>, %arg8: memref<80xi32, #tpu.memory_space<vmem>>, %arg9: memref<80x128xf32, #tpu.memory_space<vmem>>, %arg10: memref<10112x128xf32, #tpu.memory_space<vmem_shared>>, %arg11: memref<!tpu.dma_semaphore, #tpu.memory_space<semaphore_mem>>) attributes {dimension_semantics = [#tpu.dimension_semantics<core_parallel>, #tpu.dimension_semantics<subcore_parallel>], iteration_bounds = array<i64: 2, 16>, scalar_prefetch = 0 : i64, scratch_operands = 5 : i64, tpu.core_type = #tpu.core_type<sc_vector_subcore>, window_params = [{transform_indices = #map}, {transform_indices = #map1}, {transform_indices = #map1}, {transform_indices = #map}, {transform_indices = #map2}]} {
    %mul3A = arith.constant 2 : i32
    %mul3A_0 = arith.muli %arg1, %mul3A : i32
    %add3A = arith.addi %mul3A_0, %arg0 : i32
    %mul3A_1 = arith.constant 632 : i32
    %mul3A_2 = arith.muli %arg1, %mul3A_1 : i32
    %mul3A_3 = arith.constant 632 : i32
    %mul3A_4 = arith.muli %arg1, %mul3A_3 : i32
    "tpu.region"() ({
      %run_scoped3A = tpu.sem_alloc : memref<!tpu.dma_semaphore, #tpu.memory_space<semaphore_mem>>
      %dma_start3A = arith.constant 0 : i32
      %dma_start3A_17 = tpu.memref_slice %arg10[%mul3A_4, %dma_start3A] : memref<10112x128xf32, #tpu.memory_space<vmem_shared>> -> memref<632x128xf32, #tpu.memory_space<vmem_shared>>
      %dma_start3A_18 = arith.constant 0 : i32
      %dma_start3A_19 = tpu.memref_slice %arg5[%mul3A_2, %dma_start3A_18] : memref<10112x128xf32, #tpu.memory_space<hbm>> -> memref<632x128xf32, #tpu.memory_space<hbm>>
      tpu.enqueue_dma source(%dma_start3A_19 : memref<632x128xf32, #tpu.memory_space<hbm>>) target(%dma_start3A_17 : memref<632x128xf32, #tpu.memory_space<vmem_shared>>) target_semaphore(%run_scoped3A : memref<!tpu.dma_semaphore, #tpu.memory_space<semaphore_mem>>)
      %dma_wait3A = arith.constant 0 : i32
      %dma_wait3A_20 = tpu.memref_slice %arg10[%mul3A_4, %dma_wait3A] : memref<10112x128xf32, #tpu.memory_space<vmem_shared>> -> memref<632x128xf32, #tpu.memory_space<vmem_shared>>
      %dma_wait3A_21 = arith.constant 0 : i32
      %dma_wait3A_22 = tpu.memref_slice %arg5[%mul3A_2, %dma_wait3A_21] : memref<10112x128xf32, #tpu.memory_space<hbm>> -> memref<632x128xf32, #tpu.memory_space<hbm>>
      tpu.wait_dma2 semaphore(%run_scoped3A : memref<!tpu.dma_semaphore, #tpu.memory_space<semaphore_mem>>) src(%dma_wait3A_22 : memref<632x128xf32, #tpu.memory_space<hbm>>) dst(%dma_wait3A_20 : memref<632x128xf32, #tpu.memory_space<vmem_shared>>)
      tpu.yield
    }) : () -> ()
    %barrier3A = arith.constant 0 : index
    tpu.barrier barrier_id(%barrier3A)
    %mul3A_5 = arith.constant 10000 : i32
    %mul3A_6 = arith.muli %add3A, %mul3A_5 : i32
    %scan3A = arith.constant 0 : i32
    %scan3A_7 = arith.constant 0 : i32
    %scan3A_8 = arith.constant 125 : i32
    %scan3A_9 = arith.addi %scan3A_7, %scan3A_8 : i32
    %scan3A_10 = arith.constant 1 : i32
    scf.for %scan3A_17 = %scan3A_7 to %scan3A_9 step %scan3A_10  : i32 {
      %mul3A_18 = arith.constant 80 : i32
      %mul3A_19 = arith.muli %scan3A_17, %mul3A_18 : i32
      %add3A_20 = arith.addi %mul3A_6, %mul3A_19 : i32
      "tpu.region"() ({
        %run_scoped3A = tpu.sem_alloc : memref<!tpu.dma_semaphore, #tpu.memory_space<semaphore_mem>>
        %dma_start3A_25 = tpu.memref_slice %arg3[%add3A_20] : memref<320000xi32, #tpu.memory_space<hbm>> -> memref<80xi32, #tpu.memory_space<hbm>>
        %dma_start3A_26 = tpu.memref_slice %arg3[%add3A_20] : memref<320000xi32, #tpu.memory_space<hbm>> -> memref<80xi32, #tpu.memory_space<hbm>>
        tpu.enqueue_dma source(%dma_start3A_26 : memref<80xi32, #tpu.memory_space<hbm>>) target(%arg7 : memref<80xi32, #tpu.memory_space<vmem>>) target_semaphore(%run_scoped3A : memref<!tpu.dma_semaphore, #tpu.memory_space<semaphore_mem>>)
        %dma_wait3A_27 = tpu.memref_slice %arg3[%add3A_20] : memref<320000xi32, #tpu.memory_space<hbm>> -> memref<80xi32, #tpu.memory_space<hbm>>
        %dma_wait3A_28 = tpu.memref_slice %arg3[%add3A_20] : memref<320000xi32, #tpu.memory_space<hbm>> -> memref<80xi32, #tpu.memory_space<hbm>>
        tpu.wait_dma2 semaphore(%run_scoped3A : memref<!tpu.dma_semaphore, #tpu.memory_space<semaphore_mem>>) src(%dma_wait3A_28 : memref<80xi32, #tpu.memory_space<hbm>>) dst(%arg7 : memref<80xi32, #tpu.memory_space<vmem>>)
        tpu.yield
      }) : () -> ()
      "tpu.region"() ({
        %run_scoped3A = tpu.sem_alloc : memref<!tpu.dma_semaphore, #tpu.memory_space<semaphore_mem>>
        %dma_start3A_25 = tpu.memref_slice %arg4[%add3A_20] : memref<320000xi32, #tpu.memory_space<hbm>> -> memref<80xi32, #tpu.memory_space<hbm>>
        %dma_start3A_26 = tpu.memref_slice %arg4[%add3A_20] : memref<320000xi32, #tpu.memory_space<hbm>> -> memref<80xi32, #tpu.memory_space<hbm>>
        tpu.enqueue_dma source(%dma_start3A_26 : memref<80xi32, #tpu.memory_space<hbm>>) target(%arg8 : memref<80xi32, #tpu.memory_space<vmem>>) target_semaphore(%run_scoped3A : memref<!tpu.dma_semaphore, #tpu.memory_space<semaphore_mem>>)
        %dma_wait3A_27 = tpu.memref_slice %arg4[%add3A_20] : memref<320000xi32, #tpu.memory_space<hbm>> -> memref<80xi32, #tpu.memory_space<hbm>>
        %dma_wait3A_28 = tpu.memref_slice %arg4[%add3A_20] : memref<320000xi32, #tpu.memory_space<hbm>> -> memref<80xi32, #tpu.memory_space<hbm>>
        tpu.wait_dma2 semaphore(%run_scoped3A : memref<!tpu.dma_semaphore, #tpu.memory_space<semaphore_mem>>) src(%dma_wait3A_28 : memref<80xi32, #tpu.memory_space<hbm>>) dst(%arg8 : memref<80xi32, #tpu.memory_space<vmem>>)
        tpu.yield
      }) : () -> ()
      %dma_start3A = arith.constant 0 : i32
      %dma_start3A_21 = arith.constant 0 : i32
      %dma_start3A_22 = tpu.memref_slice %arg2[%dma_start3A, %dma_start3A_21] : memref<10000x128xf32, #tpu.memory_space<hbm>> -> memref<10000x128xf32, #tpu.memory_space<hbm>>
      tpu.enqueue_indirect_dma source(%dma_start3A_22 : memref<10000x128xf32, #tpu.memory_space<hbm>>) target(%arg9 : memref<80x128xf32, #tpu.memory_space<vmem>>) offsets(%arg7 : memref<80xi32, #tpu.memory_space<vmem>>) semaphore(%arg11 : memref<!tpu.dma_semaphore, #tpu.memory_space<semaphore_mem>>)
      %dma_wait3A = arith.constant 0 : i32
      %dma_wait3A_23 = arith.constant 0 : i32
      %dma_wait3A_24 = tpu.memref_slice %arg2[%dma_wait3A, %dma_wait3A_23] : memref<10000x128xf32, #tpu.memory_space<hbm>> -> memref<10000x128xf32, #tpu.memory_space<hbm>>
      tpu.wait_indirect_dma semaphore(%arg11 : memref<!tpu.dma_semaphore, #tpu.memory_space<semaphore_mem>>) src(%dma_wait3A_24 : memref<10000x128xf32, #tpu.memory_space<hbm>>) dst(%arg9 : memref<80x128xf32, #tpu.memory_space<vmem>>)
      "tpu.region"() ({
        %run_scoped3A = tpu.sem_alloc : memref<!tpu.dma_semaphore, #tpu.memory_space<semaphore_mem>>
        %dma_start3A_25 = arith.constant 0 : i32
        %dma_start3A_26 = arith.constant 0 : i32
        %dma_start3A_27 = tpu.memref_slice %arg10[%dma_start3A_25, %dma_start3A_26] : memref<10112x128xf32, #tpu.memory_space<vmem_shared>> -> memref<10112x128xf32, #tpu.memory_space<vmem_shared>>
        tpu.enqueue_indirect_dma source(%arg9 : memref<80x128xf32, #tpu.memory_space<vmem>>) target(%dma_start3A_27 : memref<10112x128xf32, #tpu.memory_space<vmem_shared>>) offsets(%arg8 : memref<80xi32, #tpu.memory_space<vmem>>) semaphore(%run_scoped3A : memref<!tpu.dma_semaphore, #tpu.memory_space<semaphore_mem>>) {add = true}
        %dma_wait3A_28 = arith.constant 0 : i32
        %dma_wait3A_29 = arith.constant 0 : i32
        %dma_wait3A_30 = tpu.memref_slice %arg10[%dma_wait3A_28, %dma_wait3A_29] : memref<10112x128xf32, #tpu.memory_space<vmem_shared>> -> memref<10112x128xf32, #tpu.memory_space<vmem_shared>>
        tpu.wait_indirect_dma semaphore(%run_scoped3A : memref<!tpu.dma_semaphore, #tpu.memory_space<semaphore_mem>>) src(%arg9 : memref<80x128xf32, #tpu.memory_space<vmem>>) dst(%dma_wait3A_30 : memref<10112x128xf32, #tpu.memory_space<vmem_shared>>)
        tpu.yield
      }) : () -> ()
    }
    %scan3A_11 = arith.constant 125 : i32
    %barrier3A_12 = arith.constant 0 : index
    tpu.barrier barrier_id(%barrier3A_12)
    %mul3A_13 = arith.constant 632 : i32
    %mul3A_14 = arith.muli %arg1, %mul3A_13 : i32
    %mul3A_15 = arith.constant 632 : i32
    %mul3A_16 = arith.muli %arg1, %mul3A_15 : i32
    "tpu.region"() ({
      %run_scoped3A = tpu.sem_alloc : memref<!tpu.dma_semaphore, #tpu.memory_space<semaphore_mem>>
      %dma_start3A = arith.constant 0 : i32
      %dma_start3A_17 = tpu.memref_slice %arg6[%arg0, %mul3A_16, %dma_start3A] : memref<2x10112x128xf32, #tpu.memory_space<hbm>> -> memref<1x632x128xf32, #tpu.memory_space<hbm>>
      %dma_start3A_18 = tpu.memref_squeeze %dma_start3A_17 : memref<1x632x128xf32, #tpu.memory_space<hbm>> -> memref<632x128xf32, #tpu.memory_space<hbm>>
      %dma_start3A_19 = arith.constant 0 : i32
      %dma_start3A_20 = tpu.memref_slice %arg10[%mul3A_14, %dma_start3A_19] : memref<10112x128xf32, #tpu.memory_space<vmem_shared>> -> memref<632x128xf32, #tpu.memory_space<vmem_shared>>
      tpu.enqueue_dma source(%dma_start3A_20 : memref<632x128xf32, #tpu.memory_space<vmem_shared>>) target(%dma_start3A_18 : memref<632x128xf32, #tpu.memory_space<hbm>>) target_semaphore(%run_scoped3A : memref<!tpu.dma_semaphore, #tpu.memory_space<semaphore_mem>>)
      %dma_wait3A = arith.constant 0 : i32
      %dma_wait3A_21 = tpu.memref_slice %arg6[%arg0, %mul3A_16, %dma_wait3A] : memref<2x10112x128xf32, #tpu.memory_space<hbm>> -> memref<1x632x128xf32, #tpu.memory_space<hbm>>
      %dma_wait3A_22 = tpu.memref_squeeze %dma_wait3A_21 : memref<1x632x128xf32, #tpu.memory_space<hbm>> -> memref<632x128xf32, #tpu.memory_space<hbm>>
      %dma_wait3A_23 = arith.constant 0 : i32
      %dma_wait3A_24 = tpu.memref_slice %arg10[%mul3A_14, %dma_wait3A_23] : memref<10112x128xf32, #tpu.memory_space<vmem_shared>> -> memref<632x128xf32, #tpu.memory_space<vmem_shared>>
      tpu.wait_dma2 semaphore(%run_scoped3A : memref<!tpu.dma_semaphore, #tpu.memory_space<semaphore_mem>>) src(%dma_wait3A_24 : memref<632x128xf32, #tpu.memory_space<vmem_shared>>) dst(%dma_wait3A_22 : memref<632x128xf32, #tpu.memory_space<hbm>>)
      tpu.yield
    }) : () -> ()
    return
  }
}

#map = affine_map<(d0, d1) -> (0)>
#map1 = affine_map<(d0, d1) -> (0, 0)>
module attributes {stable_mosaic.version = 14 : i64} {
  func.func @_deg_body(%arg0: i32, %arg1: i32, %arg2: memref<320000xi32, #tpu.memory_space<hbm>>, %arg3: memref<10000xf32, #tpu.memory_space<hbm>>, %arg4: memref<2x10000xf32, #tpu.memory_space<hbm>>, %arg5: memref<80xi32, #tpu.memory_space<vmem>>, %arg6: memref<80xf32, #tpu.memory_space<vmem>>, %arg7: memref<10000xf32, #tpu.memory_space<vmem_shared>>) attributes {dimension_semantics = [#tpu.dimension_semantics<core_parallel>, #tpu.dimension_semantics<subcore_parallel>], iteration_bounds = array<i64: 2, 16>, scalar_prefetch = 0 : i64, scratch_operands = 3 : i64, tpu.core_type = #tpu.core_type<sc_vector_subcore>, window_params = [{transform_indices = #map}, {transform_indices = #map}, {transform_indices = #map1}]} {
    %mul3A = arith.constant 2 : i32
    %mul3A_0 = arith.muli %arg1, %mul3A : i32
    %add3A = arith.addi %mul3A_0, %arg0 : i32
    %broadcast_in_dim3A = arith.constant 1.000000e+00 : f32
    %broadcast_in_dim3A_1 = vector.broadcast %broadcast_in_dim3A : f32 to vector<16xf32>
    %swap3A = arith.constant 0 : index
    %swap3A_2 = tpu.vector_load %arg6[%swap3A] {strides = array<i32>} : memref<80xf32, #tpu.memory_space<vmem>>, vector<16xf32>,
    %swap3A_3 = vector.shape_cast %swap3A_2 : vector<16xf32> to vector<16xf32>
    %swap3A_4 = vector.shape_cast %broadcast_in_dim3A_1 : vector<16xf32> to vector<16xf32>
    tpu.vector_store %arg6[%swap3A], %swap3A_4 {strides = array<i32>} : memref<80xf32, #tpu.memory_space<vmem>>, vector<16xf32>,
    %broadcast_in_dim3A_5 = arith.constant 1.000000e+00 : f32
    %broadcast_in_dim3A_6 = vector.broadcast %broadcast_in_dim3A_5 : f32 to vector<16xf32>
    %swap3A_7 = arith.constant 16 : index
    %swap3A_8 = tpu.vector_load %arg6[%swap3A_7] {strides = array<i32>} : memref<80xf32, #tpu.memory_space<vmem>>, vector<16xf32>,
    %swap3A_9 = vector.shape_cast %swap3A_8 : vector<16xf32> to vector<16xf32>
    %swap3A_10 = vector.shape_cast %broadcast_in_dim3A_6 : vector<16xf32> to vector<16xf32>
    tpu.vector_store %arg6[%swap3A_7], %swap3A_10 {strides = array<i32>} : memref<80xf32, #tpu.memory_space<vmem>>, vector<16xf32>,
    %broadcast_in_dim3A_11 = arith.constant 1.000000e+00 : f32
    %broadcast_in_dim3A_12 = vector.broadcast %broadcast_in_dim3A_11 : f32 to vector<16xf32>
    %swap3A_13 = arith.constant 32 : index
    %swap3A_14 = tpu.vector_load %arg6[%swap3A_13] {strides = array<i32>} : memref<80xf32, #tpu.memory_space<vmem>>, vector<16xf32>,
    %swap3A_15 = vector.shape_cast %swap3A_14 : vector<16xf32> to vector<16xf32>
    %swap3A_16 = vector.shape_cast %broadcast_in_dim3A_12 : vector<16xf32> to vector<16xf32>
    tpu.vector_store %arg6[%swap3A_13], %swap3A_16 {strides = array<i32>} : memref<80xf32, #tpu.memory_space<vmem>>, vector<16xf32>,
    %broadcast_in_dim3A_17 = arith.constant 1.000000e+00 : f32
    %broadcast_in_dim3A_18 = vector.broadcast %broadcast_in_dim3A_17 : f32 to vector<16xf32>
    %swap3A_19 = arith.constant 48 : index
    %swap3A_20 = tpu.vector_load %arg6[%swap3A_19] {strides = array<i32>} : memref<80xf32, #tpu.memory_space<vmem>>, vector<16xf32>,
    %swap3A_21 = vector.shape_cast %swap3A_20 : vector<16xf32> to vector<16xf32>
    %swap3A_22 = vector.shape_cast %broadcast_in_dim3A_18 : vector<16xf32> to vector<16xf32>
    tpu.vector_store %arg6[%swap3A_19], %swap3A_22 {strides = array<i32>} : memref<80xf32, #tpu.memory_space<vmem>>, vector<16xf32>,
    %broadcast_in_dim3A_23 = arith.constant 1.000000e+00 : f32
    %broadcast_in_dim3A_24 = vector.broadcast %broadcast_in_dim3A_23 : f32 to vector<16xf32>
    %swap3A_25 = arith.constant 64 : index
    %swap3A_26 = tpu.vector_load %arg6[%swap3A_25] {strides = array<i32>} : memref<80xf32, #tpu.memory_space<vmem>>, vector<16xf32>,
    %swap3A_27 = vector.shape_cast %swap3A_26 : vector<16xf32> to vector<16xf32>
    %swap3A_28 = vector.shape_cast %broadcast_in_dim3A_24 : vector<16xf32> to vector<16xf32>
    tpu.vector_store %arg6[%swap3A_25], %swap3A_28 {strides = array<i32>} : memref<80xf32, #tpu.memory_space<vmem>>, vector<16xf32>,
    %eq3A = arith.constant 0 : i32
    %eq3A_29 = arith.cmpi eq, %arg1, %eq3A : i32
    %convert_element_type3A = arith.extui %eq3A_29 : i1 to i32
    %cond3A = arith.constant 0 : i32
    %cond3A_30 = arith.cmpi ne, %convert_element_type3A, %cond3A : i32
    scf.if %cond3A_30 {
      "tpu.region"() ({
        %run_scoped3A = tpu.sem_alloc : memref<!tpu.dma_semaphore, #tpu.memory_space<semaphore_mem>>
        tpu.enqueue_dma source(%arg3 : memref<10000xf32, #tpu.memory_space<hbm>>) target(%arg7 : memref<10000xf32, #tpu.memory_space<vmem_shared>>) target_semaphore(%run_scoped3A : memref<!tpu.dma_semaphore, #tpu.memory_space<semaphore_mem>>)
        tpu.wait_dma2 semaphore(%run_scoped3A : memref<!tpu.dma_semaphore, #tpu.memory_space<semaphore_mem>>) src(%arg3 : memref<10000xf32, #tpu.memory_space<hbm>>) dst(%arg7 : memref<10000xf32, #tpu.memory_space<vmem_shared>>)
        tpu.yield
      }) : () -> ()
    } else {
    }
    %barrier3A = arith.constant 0 : index
    tpu.barrier barrier_id(%barrier3A)
    %mul3A_31 = arith.constant 10000 : i32
    %mul3A_32 = arith.muli %add3A, %mul3A_31 : i32
    %scan3A = arith.constant 0 : i32
    %scan3A_33 = arith.constant 0 : i32
    %scan3A_34 = arith.constant 125 : i32
    %scan3A_35 = arith.addi %scan3A_33, %scan3A_34 : i32
    %scan3A_36 = arith.constant 1 : i32
    scf.for %scan3A_44 = %scan3A_33 to %scan3A_35 step %scan3A_36  : i32 {
      %mul3A_45 = arith.constant 80 : i32
      %mul3A_46 = arith.muli %scan3A_44, %mul3A_45 : i32
      %add3A_47 = arith.addi %mul3A_32, %mul3A_46 : i32
      "tpu.region"() ({
        %run_scoped3A = tpu.sem_alloc : memref<!tpu.dma_semaphore, #tpu.memory_space<semaphore_mem>>
        %dma_start3A = tpu.memref_slice %arg2[%add3A_47] : memref<320000xi32, #tpu.memory_space<hbm>> -> memref<80xi32, #tpu.memory_space<hbm>>
        %dma_start3A_48 = tpu.memref_slice %arg2[%add3A_47] : memref<320000xi32, #tpu.memory_space<hbm>> -> memref<80xi32, #tpu.memory_space<hbm>>
        tpu.enqueue_dma source(%dma_start3A_48 : memref<80xi32, #tpu.memory_space<hbm>>) target(%arg5 : memref<80xi32, #tpu.memory_space<vmem>>) target_semaphore(%run_scoped3A : memref<!tpu.dma_semaphore, #tpu.memory_space<semaphore_mem>>)
        %dma_wait3A = tpu.memref_slice %arg2[%add3A_47] : memref<320000xi32, #tpu.memory_space<hbm>> -> memref<80xi32, #tpu.memory_space<hbm>>
        %dma_wait3A_49 = tpu.memref_slice %arg2[%add3A_47] : memref<320000xi32, #tpu.memory_space<hbm>> -> memref<80xi32, #tpu.memory_space<hbm>>
        tpu.wait_dma2 semaphore(%run_scoped3A : memref<!tpu.dma_semaphore, #tpu.memory_space<semaphore_mem>>) src(%dma_wait3A_49 : memref<80xi32, #tpu.memory_space<hbm>>) dst(%arg5 : memref<80xi32, #tpu.memory_space<vmem>>)
        tpu.yield
      }) : () -> ()
      "tpu.region"() ({
        %run_scoped3A = tpu.sem_alloc : memref<!tpu.dma_semaphore, #tpu.memory_space<semaphore_mem>>
        %dma_start3A = arith.constant 0 : i32
        %dma_start3A_48 = tpu.memref_slice %arg7[%dma_start3A] : memref<10000xf32, #tpu.memory_space<vmem_shared>> -> memref<10000xf32, #tpu.memory_space<vmem_shared>>
        tpu.enqueue_indirect_dma source(%arg6 : memref<80xf32, #tpu.memory_space<vmem>>) target(%dma_start3A_48 : memref<10000xf32, #tpu.memory_space<vmem_shared>>) offsets(%arg5 : memref<80xi32, #tpu.memory_space<vmem>>) semaphore(%run_scoped3A : memref<!tpu.dma_semaphore, #tpu.memory_space<semaphore_mem>>) {add = true}
        %dma_wait3A = arith.constant 0 : i32
        %dma_wait3A_49 = tpu.memref_slice %arg7[%dma_wait3A] : memref<10000xf32, #tpu.memory_space<vmem_shared>> -> memref<10000xf32, #tpu.memory_space<vmem_shared>>
        tpu.wait_indirect_dma semaphore(%run_scoped3A : memref<!tpu.dma_semaphore, #tpu.memory_space<semaphore_mem>>) src(%arg6 : memref<80xf32, #tpu.memory_space<vmem>>) dst(%dma_wait3A_49 : memref<10000xf32, #tpu.memory_space<vmem_shared>>)
        tpu.yield
      }) : () -> ()
    }
    %scan3A_37 = arith.constant 125 : i32
    %barrier3A_38 = arith.constant 0 : index
    tpu.barrier barrier_id(%barrier3A_38)
    %eq3A_39 = arith.constant 0 : i32
    %eq3A_40 = arith.cmpi eq, %arg1, %eq3A_39 : i32
    %convert_element_type3A_41 = arith.extui %eq3A_40 : i1 to i32
    %cond3A_42 = arith.constant 0 : i32
    %cond3A_43 = arith.cmpi ne, %convert_element_type3A_41, %cond3A_42 : i32
    scf.if %cond3A_43 {
      "tpu.region"() ({
        %run_scoped3A = tpu.sem_alloc : memref<!tpu.dma_semaphore, #tpu.memory_space<semaphore_mem>>
        %dma_start3A = arith.constant 0 : i32
        %dma_start3A_44 = tpu.memref_slice %arg4[%arg0, %dma_start3A] : memref<2x10000xf32, #tpu.memory_space<hbm>> -> memref<1x10000xf32, #tpu.memory_space<hbm>>
        %dma_start3A_45 = tpu.memref_squeeze %dma_start3A_44 : memref<1x10000xf32, #tpu.memory_space<hbm>> -> memref<10000xf32, #tpu.memory_space<hbm>>
        tpu.enqueue_dma source(%arg7 : memref<10000xf32, #tpu.memory_space<vmem_shared>>) target(%dma_start3A_45 : memref<10000xf32, #tpu.memory_space<hbm>>) target_semaphore(%run_scoped3A : memref<!tpu.dma_semaphore, #tpu.memory_space<semaphore_mem>>)
        %dma_wait3A = arith.constant 0 : i32
        %dma_wait3A_46 = tpu.memref_slice %arg4[%arg0, %dma_wait3A] : memref<2x10000xf32, #tpu.memory_space<hbm>> -> memref<1x10000xf32, #tpu.memory_space<hbm>>
        %dma_wait3A_47 = tpu.memref_squeeze %dma_wait3A_46 : memref<1x10000xf32, #tpu.memory_space<hbm>> -> memref<10000xf32, #tpu.memory_space<hbm>>
        tpu.wait_dma2 semaphore(%run_scoped3A : memref<!tpu.dma_semaphore, #tpu.memory_space<semaphore_mem>>) src(%arg7 : memref<10000xf32, #tpu.memory_space<vmem_shared>>) dst(%dma_wait3A_47 : memref<10000xf32, #tpu.memory_space<hbm>>)
        tpu.yield
      }) : () -> ()
    } else {
    }
    return
  }
}

module attributes {stable_mosaic.version = 14 : i64} {
  func.func @_dense_kernel(%arg0: i32, %arg1: memref<2000x2xf32, #tpu.memory_space<vmem>>, %arg2: memref<2000x128xf32, #tpu.memory_space<vmem>>, %arg3: memref<128x128xf32, #tpu.memory_space<vmem>>, %arg4: memref<2000x128xf32, #tpu.memory_space<vmem>>) attributes {dimension_semantics = [#tpu.dimension_semantics<arbitrary>], iteration_bounds = array<i64: 5>, scalar_prefetch = 0 : i64, scratch_operands = 0 : i64, tpu.core_type = #tpu.core_type<tc>, window_params = [{transform_indices = @transform_0, window_bounds = array<i64: 2000, 2>}, {transform_indices = @transform_1, window_bounds = array<i64: 2000, 128>}, {pipeline_mode = #tpu.pipeline_mode<synchronous>, transform_indices = @transform_2, window_bounds = array<i64: 128, 128>}, {transform_indices = @transform_3, window_bounds = array<i64: 2000, 128>}]} {
    %get3A = arith.constant 0 : index
    %get3A_0 = arith.constant 0 : index
    %get3A_1 = vector.load %arg1[%get3A, %get3A_0] : memref<2000x2xf32, #tpu.memory_space<vmem>>, vector<2000x1xf32>
    %get3A_2 = vector.shape_cast %get3A_1 : vector<2000x1xf32> to vector<2000xf32>
    %get3A_3 = arith.constant 0 : index
    %get3A_4 = arith.constant 1 : index
    %get3A_5 = vector.load %arg1[%get3A_3, %get3A_4] : memref<2000x2xf32, #tpu.memory_space<vmem>>, vector<2000x1xf32>
    %get3A_6 = vector.shape_cast %get3A_5 : vector<2000x1xf32> to vector<2000xf32>
    %add3A = arith.addf %get3A_2, %get3A_6 : vector<2000xf32>
    %gt3A = arith.constant 0.000000e+00 : f32
    %gt3A_7 = vector.broadcast %gt3A : f32 to vector<2000xf32>
    %gt3A_8 = arith.cmpf ogt, %add3A, %gt3A_7 : vector<2000xf32>
    %rsqrt3A = math.rsqrt %add3A : vector<2000xf32>
    %jit3A = arith.constant 0.000000e+00 : f32
    %broadcast_in_dim3A = vector.broadcast %jit3A : f32 to vector<2000xf32>
    %select_n3A = arith.select %gt3A_8, %rsqrt3A, %broadcast_in_dim3A : vector<2000xi1>, vector<2000xf32>
    %get3A_9 = arith.constant 0 : index
    %get3A_10 = arith.constant 0 : index
    %get3A_11 = vector.load %arg2[%get3A_9, %get3A_10] : memref<2000x128xf32, #tpu.memory_space<vmem>>, vector<2000x128xf32>
    %get3A_12 = arith.constant 0 : index
    %get3A_13 = arith.constant 0 : index
    %get3A_14 = vector.load %arg3[%get3A_12, %get3A_13] : memref<128x128xf32, #tpu.memory_space<vmem>>, vector<128x128xf32>
    %dot_general3A = arith.constant dense<0.000000e+00> : vector<2000x128xf32>
    %dot_general3A_15 = tpu.matmul %get3A_11, %get3A_14, %dot_general3A {dimension_numbers = #tpu.dot_dimension_numbers<[1], [0], [0], [1], [0, 0, 1, 1], [], []>, transpose_lhs_hint = false} : vector<2000x128xf32>, vector<128x128xf32>, vector<2000x128xf32> -> vector<2000x128xf32>
    %broadcast_in_dim3A_16 = vector.shape_cast %select_n3A : vector<2000xf32> to vector<2000x1xf32>
    %mul3A = vector.broadcast %broadcast_in_dim3A_16 : vector<2000x1xf32> to vector<2000x128xf32>
    %mul3A_17 = arith.mulf %dot_general3A_15, %mul3A : vector<2000x128xf32>
    %swap3A = arith.constant 0 : index
    %swap3A_18 = arith.constant 0 : index
    %swap3A_19 = vector.load %arg4[%swap3A, %swap3A_18] : memref<2000x128xf32, #tpu.memory_space<vmem>>, vector<2000x128xf32>
    tpu.vector_store %arg4[%swap3A, %swap3A_18], %mul3A_17 {strides = array<i32>} : memref<2000x128xf32, #tpu.memory_space<vmem>>, vector<2000x128xf32>,
    return
  }
  func.func @transform_0(%arg0: i32) -> (i32, i32) {
    %c0_i32 = arith.constant 0 : i32
    %c0_i32_0 = arith.constant 0 : i32
    return %arg0, %c0_i32 : i32, i32
  }
  func.func @transform_1(%arg0: i32) -> (i32, i32) {
    %c0_i32 = arith.constant 0 : i32
    %c0_i32_0 = arith.constant 0 : i32
    return %arg0, %c0_i32 : i32, i32
  }
  func.func @transform_2(%arg0: i32) -> (i32, i32) {
    %c0_i32 = arith.constant 0 : i32
    %c0_i32_0 = arith.constant 0 : i32
    %c0_i32_1 = arith.constant 0 : i32
    return %c0_i32, %c0_i32_0 : i32, i32
  }
  func.func @transform_3(%arg0: i32) -> (i32, i32) {
    %c0_i32 = arith.constant 0 : i32
    %c0_i32_0 = arith.constant 0 : i32
    return %arg0, %c0_i32 : i32, i32
  }
}

module attributes {stable_mosaic.version = 14 : i64} {
  func.func @_final_kernel(%arg0: i32, %arg1: memref<2000x2xf32, #tpu.memory_space<vmem>>, %arg2: memref<2x2000x128xf32, #tpu.memory_space<vmem>>, %arg3: memref<2000x128xf32, #tpu.memory_space<vmem>>) attributes {dimension_semantics = [#tpu.dimension_semantics<arbitrary>], iteration_bounds = array<i64: 5>, scalar_prefetch = 0 : i64, scratch_operands = 0 : i64, tpu.core_type = #tpu.core_type<tc>, window_params = [{transform_indices = @transform_0, window_bounds = array<i64: 2000, 2>}, {transform_indices = @transform_1, window_bounds = array<i64: 2, 2000, 128>}, {transform_indices = @transform_2, window_bounds = array<i64: 2000, 128>}]} {
    %get3A = arith.constant 0 : index
    %get3A_0 = arith.constant 0 : index
    %get3A_1 = vector.load %arg1[%get3A, %get3A_0] : memref<2000x2xf32, #tpu.memory_space<vmem>>, vector<2000x1xf32>
    %get3A_2 = vector.shape_cast %get3A_1 : vector<2000x1xf32> to vector<2000xf32>
    %get3A_3 = arith.constant 0 : index
    %get3A_4 = arith.constant 1 : index
    %get3A_5 = vector.load %arg1[%get3A_3, %get3A_4] : memref<2000x2xf32, #tpu.memory_space<vmem>>, vector<2000x1xf32>
    %get3A_6 = vector.shape_cast %get3A_5 : vector<2000x1xf32> to vector<2000xf32>
    %add3A = arith.addf %get3A_2, %get3A_6 : vector<2000xf32>
    %gt3A = arith.constant 0.000000e+00 : f32
    %gt3A_7 = vector.broadcast %gt3A : f32 to vector<2000xf32>
    %gt3A_8 = arith.cmpf ogt, %add3A, %gt3A_7 : vector<2000xf32>
    %rsqrt3A = math.rsqrt %add3A : vector<2000xf32>
    %jit3A = arith.constant 0.000000e+00 : f32
    %broadcast_in_dim3A = vector.broadcast %jit3A : f32 to vector<2000xf32>
    %select_n3A = arith.select %gt3A_8, %rsqrt3A, %broadcast_in_dim3A : vector<2000xi1>, vector<2000xf32>
    %get3A_9 = arith.constant 0 : index
    %get3A_10 = arith.constant 0 : index
    %get3A_11 = arith.constant 0 : index
    %get3A_12 = vector.load %arg2[%get3A_9, %get3A_10, %get3A_11] : memref<2x2000x128xf32, #tpu.memory_space<vmem>>, vector<1x2000x128xf32>
    %get3A_13 = vector.shape_cast %get3A_12 : vector<1x2000x128xf32> to vector<2000x128xf32>
    %get3A_14 = arith.constant 1 : index
    %get3A_15 = arith.constant 0 : index
    %get3A_16 = arith.constant 0 : index
    %get3A_17 = vector.load %arg2[%get3A_14, %get3A_15, %get3A_16] : memref<2x2000x128xf32, #tpu.memory_space<vmem>>, vector<1x2000x128xf32>
    %get3A_18 = vector.shape_cast %get3A_17 : vector<1x2000x128xf32> to vector<2000x128xf32>
    %add3A_19 = arith.addf %get3A_13, %get3A_18 : vector<2000x128xf32>
    %broadcast_in_dim3A_20 = vector.shape_cast %select_n3A : vector<2000xf32> to vector<2000x1xf32>
    %mul3A = vector.broadcast %broadcast_in_dim3A_20 : vector<2000x1xf32> to vector<2000x128xf32>
    %mul3A_21 = arith.mulf %add3A_19, %mul3A : vector<2000x128xf32>
    %max3A = arith.constant 0.000000e+00 : f32
    %max3A_22 = vector.broadcast %max3A : f32 to vector<2000x128xf32>
    %max3A_23 = arith.maximumf %mul3A_21, %max3A_22 : vector<2000x128xf32>
    %swap3A = arith.constant 0 : index
    %swap3A_24 = arith.constant 0 : index
    %swap3A_25 = vector.load %arg3[%swap3A, %swap3A_24] : memref<2000x128xf32, #tpu.memory_space<vmem>>, vector<2000x128xf32>
    tpu.vector_store %arg3[%swap3A, %swap3A_24], %max3A_23 {strides = array<i32>} : memref<2000x128xf32, #tpu.memory_space<vmem>>, vector<2000x128xf32>,
    return
  }
  func.func @transform_0(%arg0: i32) -> (i32, i32) {
    %c0_i32 = arith.constant 0 : i32
    %c0_i32_0 = arith.constant 0 : i32
    return %arg0, %c0_i32 : i32, i32
  }
  func.func @transform_1(%arg0: i32) -> (i32, i32, i32) {
    %c0_i32 = arith.constant 0 : i32
    %c0_i32_0 = arith.constant 0 : i32
    %c0_i32_1 = arith.constant 0 : i32
    return %c0_i32, %arg0, %c0_i32_0 : i32, i32, i32
  }
  func.func @transform_2(%arg0: i32) -> (i32, i32) {
    %c0_i32 = arith.constant 0 : i32
    %c0_i32_0 = arith.constant 0 : i32
    return %arg0, %c0_i32 : i32, i32
  }
}

</mosaic_0001>

<sc_bundles>
// kernel: kernel.6.cloned.1.call-start
scs
__scs_entry_jumppad:
0x0: {  	(pc) =	sbr.rel $0x88, $3  }
0x1: {  	(tag) =	ssettag $0x0;
	lr =	simm.s32 $0x1  }
0x2: {  	[smem:$0x3F9E] =	sst lr;
	_ =	strace $0xD0000000  }
0x3: {  	_ = 	snop  }
0x4: {  	_ = 	snop  }
0x5: {  	_ = 	snop  }
0x6: {  	_ = 	snop  }
0x7: {  	_ = 	snop  }
__scs_overlays_trampoline_lowered:
0x8: {  	[smem:$0x3FAD] =	sst s0  }
0x9: {  	[smem:$0x3FAE] =	sst s1  }
0xa: {  	[smem:$0x3FAF] =	sst s2  }
0xb: {  	[smem:$0x3FB0] =	sst s3  }
0xc: {  	[smem:$0x3FB1] =	sst s4  }
0xd: {  	[smem:$0x3FB2] =	sst s5  }
0xe: {  	[smem:$0x3FB3] =	sst s6  }
0xf: {  	[smem:$0x3FB4] =	sst s7  }
0x10: {  	[smem:$0x3FB5] =	sst s8  }
0x11: {  	[smem:$0x3FB6] =	sst s9;
	s0 =	simm.s32 @!p0 $0x0  }
0x12: {  	s1 =	sld [smem:$0x3F9C];
	s0 =	simm.s32 @p0 $0x1  }
0x13: {  	[smem:$0x3FB7] =	sst s0;
	s0 =	simm.s32 @!p1 $0x0  }
0x14: {  	s2 =	sld [smem:$0x3F9B];
	s0 =	simm.s32 @p1 $0x1  }
0x15: {  	[smem:$0x3FB8] =	sst s0;
	s0 =	simm.s32 @!p2 $0x0  }
0x16: {  	s3 =	sld [smem:$0x3FDB];
	s0 =	simm.s32 @p2 $0x1  }
0x17: {  	s4 =	simm.s32 $0x1BF5;
	[smem:$0x3FBA] =	sst s0  }
0x18: {  	s0 =	sld [smem:$0x3F9D];
	_ =	swait.ge [sflag:s4], $0x0  }
0x19: {  	s7 =	sld [smem:$0x3F9E]  }
0x1a: {  	s8 =	sadd.s32 $0xFFFFE003, lr  }
0x1b: {  	s9 =	sadd.s32 $0xFFFFFEF7, lr;
	s5 =	simm.s32 $0xFFFFFFFF;
	p2 =	slt.u32 s8, $0xFFFFF086  }
0x1c: {  	p1 =	slt.u32 s9, $0xF7A;
	s5 =	simm.s32 @!p2 $0x0  }
0x1d: {  	s5 =	simm.s32 @p1 $0x1;
	p0 =	seq.s32 s7, s2  }
0x1e: {  	s7 =	smul.u32 @!p0 $0xF7A, s2;
	p2 =	seq.s32 @!p0 s5, $0x0  }
0x1f: {  	s9 =	smul.u32 $0xF7A, s1;
	s8 =	simm.s32 @!p0 $0x1BF5;
	p2 =	por !p2, p0  }
0x20: {  	[sflag:s8] =	ssyncset.s32 @!p0 $0xFFFFF086;
	s6 =	sadd.s32 @!p0 s3, s7;
	s7 =	simm.s32 @!p0 $0x108  }
0x21: {  	s3 =	sadd.s32 s3, s9;
	s6 =	sadd.s32 @!p0 $0x88, s6;
	s7 =	simm.s32 @p2 $0x1082  }
0x22: {  	[simem:s7], [sflag:s8] =	dma.local @!p0 [hbm:s6], $0xF7A  }
0x23: {  	s9 =	sor.u32 $0xD0000000, s2;
	s6 =	simm.s32 $0x108;
	_ =	swait.ge @!p0 [sflag:s8], $0x0  }
0x24: {  	s3 =	sadd.s32 $0x88, s3;
	s6 =	simm.s32 @!p1 $0x1082;
	[sflag:s4] =	ssyncset.s32 $0xFFFFF086  }
0x25: {  	[simem:s6], [sflag:s4] =	dma.local [hbm:s3], $0xF7A  }
0x26: {  	[smem:$0x3F9E] =	sst s1;
	(tag) =	ssettag s2;
	_ =	strace s9  }
0x27: {  	s1 =	sld [smem:$0x3FAE]  }
0x28: {  	s2 =	sld [smem:$0x3FAF]  }
0x29: {  	s4 =	sld [smem:$0x3FB1]  }
0x2a: {  	p0 =	seq.s32 s5, $0x0;
	s5 =	sld [smem:$0x3FB2]  }
0x2b: {  	s6 =	sld [smem:$0x3FB3]  }
0x2c: {  	s7 =	sld [smem:$0x3FB4]  }
0x2d: {  	s3 =	simm.s32 $0x108;
	s8 =	sld [smem:$0x3FB5]  }
0x2e: {  	s3 =	simm.s32 @!p0 $0x1082;
	s9 =	sld [smem:$0x3FB6]  }
0x2f: {  	lr =	sadd.s32 s0, s3;
	s0 =	sld [smem:$0x3FAD]  }
0x30: {  	s3 =	sld [smem:$0x3FB0]  }
0x31: {  	[smem:$0x3FB9] =	sst s10  }
0x32: {  	s10 =	sld [smem:$0x3FB7];
	_ =	sdelay $0x3  }
0x33: {  	p0 =	seq.s32 s10, $0x1;
	s10 =	sld [smem:$0x3FB9];
	_ =	sdelay $0x3  }
0x34: {  	[smem:$0x3FB9] =	sst s10  }
0x35: {  	s10 =	sld [smem:$0x3FB8];
	_ =	sdelay $0x3  }
0x36: {  	p1 =	seq.s32 s10, $0x1;
	s10 =	sld [smem:$0x3FB9];
	_ =	sdelay $0x3  }
0x37: {  	[smem:$0x3FB9] =	sst s10  }
0x38: {  	s10 =	sld [smem:$0x3FBA]  }
0x39: {  	_ = 	snop;
	(pc) =	sbr.ind lr, $3  }
0x3a: {  	_ = 	snop  }
0x3b: {  	_ = 	snop  }
0x3c: {  	p2 =	seq.s32 s10, $0x1;
	s10 =	sld [smem:$0x3FB9]  }
0x3d: {  	_ =	shalt  }
0x3e: {  	_ =	shalt  }
0x3f: {  	_ =	shalt  }
0x40: {  	_ =	shalt  }
0x41: {  	_ =	shalt  }
0x42: {  	_ =	shalt  }
0x43: {  	_ =	shalt  }
0x44: {  	_ =	shalt  }
0x45: {  	_ =	shalt  }
0x46: {  	_ =	shalt  }
0x47: {  	_ =	shalt  }
0x48: {  	_ =	shalt  }
0x49: {  	_ =	shalt  }
0x4a: {  	_ =	shalt  }
0x4b: {  	_ =	shalt  }
0x4c: {  	_ =	shalt  }
0x4d: {  	_ =	shalt  }
0x4e: {  	_ =	shalt  }
0x4f: {  	_ =	shalt  }
0x50: {  	_ =	shalt  }
0x51: {  	_ =	shalt  }
0x52: {  	_ =	shalt  }
0x53: {  	_ =	shalt  }
0x54: {  	_ =	shalt  }
0x55: {  	_ =	shalt  }
0x56: {  	_ =	shalt  }
0x57: {  	_ =	shalt  }
0x58: {  	_ =	shalt  }
0x59: {  	_ =	shalt  }
0x5a: {  	_ =	shalt  }
0x5b: {  	_ =	shalt  }
0x5c: {  	_ =	shalt  }
0x5d: {  	_ =	shalt  }
0x5e: {  	_ =	shalt  }
0x5f: {  	_ =	shalt  }
0x60: {  	_ =	shalt  }
0x61: {  	_ =	shalt  }
0x62: {  	_ =	shalt  }
0x63: {  	_ =	shalt  }
0x64: {  	_ =	shalt  }
0x65: {  	_ =	shalt  }
0x66: {  	_ =	shalt  }
0x67: {  	_ =	shalt  }
0x68: {  	_ =	shalt  }
0x69: {  	_ =	shalt  }
0x6a: {  	_ =	shalt  }
0x6b: {  	_ =	shalt  }
0x6c: {  	_ =	shalt  }
0x6d: {  	_ =	shalt  }
0x6e: {  	_ =	shalt  }
0x6f: {  	_ =	shalt  }
0x70: {  	_ =	shalt  }
0x71: {  	_ =	shalt  }
0x72: {  	_ =	shalt  }
0x73: {  	_ =	shalt  }
0x74: {  	_ =	shalt  }
0x75: {  	_ =	shalt  }
0x76: {  	_ =	shalt  }
0x77: {  	_ =	shalt  }
0x78: {  	_ =	shalt  }
0x79: {  	_ =	shalt  }
0x7a: {  	_ =	shalt  }
0x7b: {  	_ =	shalt  }
0x7c: {  	_ =	shalt  }
0x7d: {  	_ =	shalt  }
0x7e: {  	_ =	shalt  }
0x7f: {  	_ =	shalt  }
0x80: {  	_ =	shalt  }
0x81: {  	_ =	shalt  }
0x82: {  	_ =	shalt  }
0x83: {  	_ =	shalt  }
0x84: {  	_ =	shalt  }
0x85: {  	_ =	shalt  }
0x86: {  	_ =	shalt  }
0x87: {  	_ =	shalt  }
.Lfunc_end0:
.L_simem_size_0:
called_computation_lowered:
.L_overlay_start_0:
0x88: {  	s2 =	sld [smem:$0x3FD9]  }
0x89: {  	s3 =	sld [smem:$0x3FFE];
	_ =	sdelay $0x1  }
0x8a: {  	s1 =	srdreg.scid  }
0x8b: {  	s0 =	sand.u32 $0x1, s1  }
0x8c: {  	s17 =	sshll.u32 s0, $0xA;
	s2 =	sadd.s32 s3, s2  }
0x8d: {  	s2 =	sadd.s32 s2, s17  }
0x8e: {  	[smem:$0x3FC5] =	sst s2  }
0x8f: {  	_ = 	snop  }
0x90: {  	s2 =	sld [smem:$0x3FD0];
	(tm) =	ssettm $0x1  }
0x91: {  	s18 =	sld [smem:$0x3FFB];
	_ =	sdelay $0x3  }
0x92: {  	_ =	strace s18  }
0x93: {  	s3 =	sld [smem:$0x3FFC];
	_ =	sdelay $0x3  }
0x94: {  	_ =	strace s3  }
0x95: {  	s3 =	sld [smem:$0x3FFD];
	_ =	sdelay $0x3  }
0x96: {  	_ =	strace s3  }
0x97: {  	_ =	strace $0x8FFFFFFF  }
0x98: {  	s19 =	sld [smem:$0x3FDB];
	_ =	sdelay $0x1  }
0x99: {  	s4 =	simm.s32 $_scs_section_size  }
0x9a: {  	s5 =	simm.s32 $_size__tile_overlayer_lowered;
	s6 =	simm.s32 $_tile_overlayer_lowered  }
0x9b: {  	s22 =	simm.s32 $0x1BFF;
	s21 =	sshll.u32 s6, $0x1;
	s3 =	sadd.s32 s4, s19  }
0x9c: {  	s7 =	simm.s32 $0x0;
	s20 =	sshll.u32 s5, $0x1;
	s5 =	sadd.s32 s21, s3  }
0x9d: {  	[timem:s7], [sflag:s22] =	dma.local [hbm:s5], s20  }
0x9e: {  	_ =	swait.ge [sflag:s22], s20  }
0x9f: {  	s4 =	ssub.s32 $0x0, s20;
	[sflag:s22] =	ssyncset.done $0x0  }
0xa0: {  	[sflag:s22] =	ssyncadd.s32 s4;
	_ =	sdelay $0x1  }
0xa1: {  	s23 =	simm.s32 $0x1B8B  }
0xa2: {  	_ =	swait.ge [sflag:s23], $0x1  }
0xa3: {  	[sflag:s23] =	ssyncset.done $0x0  }
0xa4: {  	s25 =	simm.s32 $0x1B8E;
	s24 =	sld [smem:$0x3FFE];
	[sflag:s23] =	ssyncadd.s32 $0xFFFFFFFF  }
0xa5: {  	s26 =	simm.s32 $execute0_lowered;
	[smem:$0x3FD2] =	sst s25  }
0xa6: {  	s5 =	sshll.u32 s26, $0x1;
	_ =	strace $0x80000046;
	[dreg:$0x1] =	wrdreg $0xFFFFFFFF  }
0xa7: {  	s28 =	simm.s32 $_size_execute0_lowered;
	s3 =	sadd.s32 s3, s5;
	[dreg:$0x0] =	wrdreg $0x0  }
0xa8: {  	s5 =	sshll.u32 s28, $0x1;
	[dreg:$0x2] =	wrdreg s3  }
0xa9: {  	[dreg:$0x3] =	wrdreg s5  }
0xaa: {  	[dreg:$0x4] =	wrdreg $0xC0  }
0xab: {  	_ =	task [dreg:s7], $0x5FFFF  }
0xac: {  	[dreg:$0x1] =	wrdreg $0xFFFFFFFF  }
0xad: {  	[dreg:$0x0] =	wrdreg $0x60  }
0xae: {  	[dreg:$0x2] =	wrdreg s24  }
0xaf: {  	[dreg:$0x3] =	wrdreg s2  }
0xb0: {  	[dreg:$0x4] =	wrdreg $0x1000  }
0xb1: {  	[dreg:$0x5] =	wrdreg $0x9  }
0xb2: {  	_ =	task.clear_ibuf [dreg:s7], $0x6FFFF;
	_ =	strace $0x90000046  }
0xb3: {  	s29 =	simm.s32 $0x9;
	_ =	strace $0x80000048  }
0xb4: {  	_ =	swait.ge [sflag:s29], $0x1  }
0xb5: {  	[sflag:s29] =	ssyncadd.s32 $0xFFFFFFFF  }
0xb6: {  	_ =	strace $0x90000048  }
0xb7: {  	_ =	sfence  }
0xb8: {  	s30 =	sld [smem:$0x0];
	_ =	sdelay $0x2  }
0xb9: {  	s31 =	sshll.u32 s1, $0xD;
	s1 =	sshrl.u32 s1, $0x2  }
0xba: {  	s3 =	sand.u32 $0x4000, s31;
	s1 =	sadd.s32 s1, s30  }
0xbb: {  	s0 =	sor.u32 s3, s0;
	s1 =	sshll.u32 s1, $0x11  }
0xbc: {  	s0 =	sor.u32 s1, s0  }
0xbd: {  	s0 =	sadd.s32 $0x8F2B, s0  }
0xbe: {  	[sflag:s0] =	ssyncadd.remote.s32 $0x1  }
0xbf: {  	_ =	sfence.sel $0xFFFF  }
0xc0: {  	[dreg:$0x0] =	wrdreg $0xFFFFFFFF;
	(pc) =	sbr.abs _section_cstart, $3  }
0xc1: {  	[dreg:$0x1] =	wrdreg $0xFFFFFFFF  }
0xc2: {  	_ =	task.clear_ibuf [dreg:s7], $0x2FFFF;
	_ =	strace $0x9FFFFFFF  }
0xc3: {  	(tm) =	ssettm $0x7FFFFFFF  }
tec
execute0_lowered:
.L_overlay_start_1:
0x0: {  	(tag) =	ssettag $0x1  }
0x1: {  	s3 =	rddreg [dreg:$0x0]  }
0x2: {  	s0 =	srdreg.scid;
	s7 =	rddreg [dreg:$0x1]  }
0x3: {  	s6 =	stileid.u32;
	s1 =	rddreg [dreg:$0x2]  }
0x4: {  	s2 =	simm.s32 $0x0;
	s10 =	simm.s32 $0x80;
	s11 =	simm.s32 $0x0  }
0x5: {  	s4 =	sand.u32 $0x1, s0;
	s5 =	smul.u32 $0x4E20, s6;
	s0 =	rddreg [dreg:$0x3]  }
0x6: {  	[smem:$0x7FF] =	sst s2;
	p0 =	sne.s32 s6, $0x0;
	s8 =	smul.u32 $0x2710, s4  }
0x7: {  	s30 =	ssub.s32 $0x2, s4;
	_ =	strace $0x80000047;
	s4 =	sshll.u32 s4, $0x4  }
0x8: {  	s31 =	sshrl.u32 s30, $0x1;
	s4 =	sadd.s32 s7, s4;
	s5 =	sadd.s32 s8, s5  }
0x9: {  	s7 =	sshrl.u32 @!p0 s1, $0x3;
	s8 =	simm.s32 $0x1;
	s5 =	sshrl.u32 s5, $0x3  }
0xa: {  	s9 =	sadd.s32 s5, s3;
	s3 =	sadd.s32 $0x14A00, s3;
	s5 =	ssub.s32 s30, s31  }
0xb: {  	v0 =	vimm.f32 $1.000000000e+00;
	s5 =	smax.u32 s5, $0x1;
	s6 =	sadd.s32 $0xAC00, s9;
	s9 =	simm.s32 $0x50  }
.LBB2_1:
0xc: {  	[tilespmem:$0x80] =	vst v0  }
0xd: {  	[tilespmem:$0x90] =	vst v0  }
0xe: {  	[tilespmem:$0xA0] =	vst v0  }
0xf: {  	[tilespmem:$0xB0] =	vst v0  }
0x10: {  	[tilespmem:$0xC0] =	vst v0;
	s12 =	simm.s32 @!p0 $0x1C01  }
0x11: {  	[spmem:s7], [sflag:s12] =	dma.local @!p0 [hbm:s3], $0x4F0  }
0x12: {  	s12 =	simm.s32 @!p0 $0x1  }
0x13: {  	_ =	swait.ge @!p0 [sflag:s12], $0x4F0  }
0x14: {  	[sflag:s12] =	ssyncset.done @!p0 $0x0  }
0x15: {  	[sflag:s12] =	ssyncadd.s32 @!p0 $0xFFFFFB10  }
0x16: {  	s31 =	sadd.s32 $0x0, s6;
	[bflag:$0x0] =	sbarrier.arrive $0xFFFF  }
0x17: {  	[tilespmem:s2], [sflag:$0x1] =	stream.linear.gather [hbm4b:s31+s2], $0x50, $0x38;
	[tilespmem:$0x378] =	vst v63  }
0x18: {  	_ =	swait.ge [sflag:s8], $0x50  }
0x19: {  	[sflag:s8] =	ssyncset.done $0x0  }
0x1a: {  	[sflag:s8] =	ssyncadd.s32 $0xFFFFFFB0  }
0x1b: {  	[spmem:s1] =	stream.indirect.scatter.add.f32 [tilespmem:s10], [sflag:$0x1], $0x1, s2, s9, $0xb8;
	[tilespmem:$0x378] =	vst v63  }
0x1c: {  	_ =	swait.ge [sflag:s8], $0x50  }
0x1d: {  	s13 =	simm.s32 $0x14;
	s12 =	simm.s32 $0xA;
	[sflag:s8] =	ssyncset.done $0x0  }
.LBB2_2:
0x1e: {  	s14 =	sadd.s32 s12, s6  }
0x1f: {  	[sflag:s8] =	ssyncadd.s32 $0xFFFFFFB0;
	s12 =	smov.u32 s13;
	s15 =	sadd.s32 $0xA, s13  }
0x20: {  	[tilespmem:s2], [sflag:$0x1] =	stream.linear.gather [hbm4b:s14+s2], $0x50, $0x38;
	[tilespmem:$0x378] =	vst v63  }
0x21: {  	p1 =	sne.s32 s13, $0x4D8;
	_ =	swait.ge [sflag:s8], $0x50  }
.Ltmp0:
0x22: {  	[sflag:s8] =	ssyncset.done $0x0;
	(pc) =	sbr.rel @p1 .LBB2_2-.Ltmp0, $4  }
0x23: {  	[sflag:s8] =	ssyncadd.s32 $0xFFFFFFB0  }
0x24: {  	[spmem:s1] =	stream.indirect.scatter.add.f32 [tilespmem:s10], [sflag:$0x1], $0x1, s2, s9, $0xb8;
	[tilespmem:$0x378] =	vst v63  }
0x25: {  	_ =	swait.ge [sflag:s8], $0x50  }
0x26: {  	s13 =	smov.u32 s15;
	[sflag:s8] =	ssyncset.done $0x0  }
0x27: {  	s12 =	sadd.s32 s12, s6;
	[sflag:s8] =	ssyncadd.s32 $0xFFFFFFB0  }
0x28: {  	[tilespmem:s2], [sflag:$0x1] =	stream.linear.gather [hbm4b:s12+s2], $0x50, $0x38;
	[tilespmem:$0x378] =	vst v63  }
0x29: {  	_ =	swait.ge [sflag:s8], $0x50  }
0x2a: {  	[sflag:s8] =	ssyncset.done $0x0  }
0x2b: {  	[sflag:s8] =	ssyncadd.s32 $0xFFFFFFB0  }
0x2c: {  	[spmem:s1] =	stream.indirect.scatter.add.f32 [tilespmem:s10], [sflag:$0x1], $0x1, s2, s9, $0xb8;
	[tilespmem:$0x378] =	vst v63  }
0x2d: {  	s13 =	simm.s32 @!p0 $0x20;
	_ =	swait.ge [sflag:s8], $0x50  }
0x2e: {  	s14 =	simm.s32 @!p0 $0x10;
	s11 =	sadd.s32 $0x1, s11;
	[sflag:s8] =	ssyncset.done $0x0  }
0x2f: {  	s15 =	simm.s32 @!p0 $0x1C01;
	p1 =	sne.s32 s11, s5;
	[sflag:s8] =	ssyncadd.s32 $0xFFFFFFB0  }
.Ltmp1:
0x30: {  	s12 =	simm.s32 @!p0 $0x1;
	[bflag:$0x0] =	sbarrier.arrive $0xFFFF;
	(pc) =	sbr.rel @p1 .LBB2_1-.Ltmp1, $4  }
0x31: {  	[hbm:s4@s13], [sflag:s15] =	dma.strided @!p0 [spmem:s7@s14], $0x4F0, s12, $0x10   }
0x32: {  	_ =	swait.ge @!p0 [sflag:s12], $0x4F0  }
0x33: {  	[sflag:s12] =	ssyncset.done @!p0 $0x0  }
0x34: {  	[sflag:s12] =	ssyncadd.s32 @!p0 $0xFFFFFB10  }
0x35: {  	_ =	sfence.sel $0x180000  }
0x36: {  	[bflag:$0x0] =	sbarrier.arrive $0xFFFF  }
0x37: {  	_ =	strace $0x90000047  }
0x38: {  	s0 =	sadd.s32 @!p0 $0x100000, s0;
	[bflag:$0x2] =	sbarrier.arrive $0xFFFF  }
0x39: {  	[sflag:s0] =	ssyncadd.tile.s32 @!p0 $0x1;
	_ =	shalt  }
.Lfunc_end2:
_tile_overlayer_lowered:
.L_overlay_start_2:
0x3a: {  	(tag) =	ssettag $0x2  }
0x3b: {  	s0 =	rddreg [dreg:$0x0];
	s2 =	stileid.u32  }
0x3c: {  	s1 =	rddreg [dreg:$0x1];
	p0 =	sne.s32 s2, $0x0  }
0x3d: {  	s3 =	rddreg [dreg:$0x2];
	[bflag:$0x3] =	sbarrier.arrive $0xFFFF;
	s2 =	simm.s32 @!p0 $0x1C01  }
0x3e: {  	[timem:s3], [sflag:s2] =	dma.local @!p0 [hbm:s0], s1  }
0x3f: {  	s0 =	simm.s32 @!p0 $0x1  }
0x40: {  	_ =	swait.ge @!p0 [sflag:s0], s1  }
0x41: {  	s1 =	ssub.s32 @!p0 $0x0, s1;
	[sflag:s0] =	ssyncset.done @!p0 $0x0  }
0x42: {  	[sflag:s0] =	ssyncadd.s32 @!p0 s1  }
0x43: {  	[bflag:$0x3] =	sbarrier.arrive $0xFFFF  }
0x44: {  	_ =	shalt  }

// kernel: kernel.9.cloned.1.call-start
scs
__scs_entry_jumppad:
0x0: {  	(pc) =	sbr.rel $0x88, $3  }
0x1: {  	(tag) =	ssettag $0x0;
	lr =	simm.s32 $0x1  }
0x2: {  	[smem:$0x3F9E] =	sst lr;
	_ =	strace $0xD0000000  }
0x3: {  	_ = 	snop  }
0x4: {  	_ = 	snop  }
0x5: {  	_ = 	snop  }
0x6: {  	_ = 	snop  }
0x7: {  	_ = 	snop  }
__scs_overlays_trampoline_lowered:
0x8: {  	[smem:$0x3FAD] =	sst s0  }
0x9: {  	[smem:$0x3FAE] =	sst s1  }
0xa: {  	[smem:$0x3FAF] =	sst s2  }
0xb: {  	[smem:$0x3FB0] =	sst s3  }
0xc: {  	[smem:$0x3FB1] =	sst s4  }
0xd: {  	[smem:$0x3FB2] =	sst s5  }
0xe: {  	[smem:$0x3FB3] =	sst s6  }
0xf: {  	[smem:$0x3FB4] =	sst s7  }
0x10: {  	[smem:$0x3FB5] =	sst s8  }
0x11: {  	[smem:$0x3FB6] =	sst s9;
	s0 =	simm.s32 @!p0 $0x0  }
0x12: {  	s1 =	sld [smem:$0x3F9C];
	s0 =	simm.s32 @p0 $0x1  }
0x13: {  	[smem:$0x3FB7] =	sst s0;
	s0 =	simm.s32 @!p1 $0x0  }
0x14: {  	s2 =	sld [smem:$0x3F9B];
	s0 =	simm.s32 @p1 $0x1  }
0x15: {  	[smem:$0x3FB8] =	sst s0;
	s0 =	simm.s32 @!p2 $0x0  }
0x16: {  	s3 =	sld [smem:$0x3FDB];
	s0 =	simm.s32 @p2 $0x1  }
0x17: {  	s4 =	simm.s32 $0x1BF5;
	[smem:$0x3FBA] =	sst s0  }
0x18: {  	s0 =	sld [smem:$0x3F9D];
	_ =	swait.ge [sflag:s4], $0x0  }
0x19: {  	s7 =	sld [smem:$0x3F9E]  }
0x1a: {  	s8 =	sadd.s32 $0xFFFFE003, lr  }
0x1b: {  	s9 =	sadd.s32 $0xFFFFFEF7, lr;
	s5 =	simm.s32 $0xFFFFFFFF;
	p2 =	slt.u32 s8, $0xFFFFF086  }
0x1c: {  	p1 =	slt.u32 s9, $0xF7A;
	s5 =	simm.s32 @!p2 $0x0  }
0x1d: {  	s5 =	simm.s32 @p1 $0x1;
	p0 =	seq.s32 s7, s2  }
0x1e: {  	s7 =	smul.u32 @!p0 $0xF7A, s2;
	p2 =	seq.s32 @!p0 s5, $0x0  }
0x1f: {  	s9 =	smul.u32 $0xF7A, s1;
	s8 =	simm.s32 @!p0 $0x1BF5;
	p2 =	por !p2, p0  }
0x20: {  	[sflag:s8] =	ssyncset.s32 @!p0 $0xFFFFF086;
	s6 =	sadd.s32 @!p0 s3, s7;
	s7 =	simm.s32 @!p0 $0x108  }
0x21: {  	s3 =	sadd.s32 s3, s9;
	s6 =	sadd.s32 @!p0 $0x88, s6;
	s7 =	simm.s32 @p2 $0x1082  }
0x22: {  	[simem:s7], [sflag:s8] =	dma.local @!p0 [hbm:s6], $0xF7A  }
0x23: {  	s9 =	sor.u32 $0xD0000000, s2;
	s6 =	simm.s32 $0x108;
	_ =	swait.ge @!p0 [sflag:s8], $0x0  }
0x24: {  	s3 =	sadd.s32 $0x88, s3;
	s6 =	simm.s32 @!p1 $0x1082;
	[sflag:s4] =	ssyncset.s32 $0xFFFFF086  }
0x25: {  	[simem:s6], [sflag:s4] =	dma.local [hbm:s3], $0xF7A  }
0x26: {  	[smem:$0x3F9E] =	sst s1;
	(tag) =	ssettag s2;
	_ =	strace s9  }
0x27: {  	s1 =	sld [smem:$0x3FAE]  }
0x28: {  	s2 =	sld [smem:$0x3FAF]  }
0x29: {  	s4 =	sld [smem:$0x3FB1]  }
0x2a: {  	p0 =	seq.s32 s5, $0x0;
	s5 =	sld [smem:$0x3FB2]  }
0x2b: {  	s6 =	sld [smem:$0x3FB3]  }
0x2c: {  	s7 =	sld [smem:$0x3FB4]  }
0x2d: {  	s3 =	simm.s32 $0x108;
	s8 =	sld [smem:$0x3FB5]  }
0x2e: {  	s3 =	simm.s32 @!p0 $0x1082;
	s9 =	sld [smem:$0x3FB6]  }
0x2f: {  	lr =	sadd.s32 s0, s3;
	s0 =	sld [smem:$0x3FAD]  }
0x30: {  	s3 =	sld [smem:$0x3FB0]  }
0x31: {  	[smem:$0x3FB9] =	sst s10  }
0x32: {  	s10 =	sld [smem:$0x3FB7];
	_ =	sdelay $0x3  }
0x33: {  	p0 =	seq.s32 s10, $0x1;
	s10 =	sld [smem:$0x3FB9];
	_ =	sdelay $0x3  }
0x34: {  	[smem:$0x3FB9] =	sst s10  }
0x35: {  	s10 =	sld [smem:$0x3FB8];
	_ =	sdelay $0x3  }
0x36: {  	p1 =	seq.s32 s10, $0x1;
	s10 =	sld [smem:$0x3FB9];
	_ =	sdelay $0x3  }
0x37: {  	[smem:$0x3FB9] =	sst s10  }
0x38: {  	s10 =	sld [smem:$0x3FBA]  }
0x39: {  	_ = 	snop;
	(pc) =	sbr.ind lr, $3  }
0x3a: {  	_ = 	snop  }
0x3b: {  	_ = 	snop  }
0x3c: {  	p2 =	seq.s32 s10, $0x1;
	s10 =	sld [smem:$0x3FB9]  }
0x3d: {  	_ =	shalt  }
0x3e: {  	_ =	shalt  }
0x3f: {  	_ =	shalt  }
0x40: {  	_ =	shalt  }
0x41: {  	_ =	shalt  }
0x42: {  	_ =	shalt  }
0x43: {  	_ =	shalt  }
0x44: {  	_ =	shalt  }
0x45: {  	_ =	shalt  }
0x46: {  	_ =	shalt  }
0x47: {  	_ =	shalt  }
0x48: {  	_ =	shalt  }
0x49: {  	_ =	shalt  }
0x4a: {  	_ =	shalt  }
0x4b: {  	_ =	shalt  }
0x4c: {  	_ =	shalt  }
0x4d: {  	_ =	shalt  }
0x4e: {  	_ =	shalt  }
0x4f: {  	_ =	shalt  }
0x50: {  	_ =	shalt  }
0x51: {  	_ =	shalt  }
0x52: {  	_ =	shalt  }
0x53: {  	_ =	shalt  }
0x54: {  	_ =	shalt  }
0x55: {  	_ =	shalt  }
0x56: {  	_ =	shalt  }
0x57: {  	_ =	shalt  }
0x58: {  	_ =	shalt  }
0x59: {  	_ =	shalt  }
0x5a: {  	_ =	shalt  }
0x5b: {  	_ =	shalt  }
0x5c: {  	_ =	shalt  }
0x5d: {  	_ =	shalt  }
0x5e: {  	_ =	shalt  }
0x5f: {  	_ =	shalt  }
0x60: {  	_ =	shalt  }
0x61: {  	_ =	shalt  }
0x62: {  	_ =	shalt  }
0x63: {  	_ =	shalt  }
0x64: {  	_ =	shalt  }
0x65: {  	_ =	shalt  }
0x66: {  	_ =	shalt  }
0x67: {  	_ =	shalt  }
0x68: {  	_ =	shalt  }
0x69: {  	_ =	shalt  }
0x6a: {  	_ =	shalt  }
0x6b: {  	_ =	shalt  }
0x6c: {  	_ =	shalt  }
0x6d: {  	_ =	shalt  }
0x6e: {  	_ =	shalt  }
0x6f: {  	_ =	shalt  }
0x70: {  	_ =	shalt  }
0x71: {  	_ =	shalt  }
0x72: {  	_ =	shalt  }
0x73: {  	_ =	shalt  }
0x74: {  	_ =	shalt  }
0x75: {  	_ =	shalt  }
0x76: {  	_ =	shalt  }
0x77: {  	_ =	shalt  }
0x78: {  	_ =	shalt  }
0x79: {  	_ =	shalt  }
0x7a: {  	_ =	shalt  }
0x7b: {  	_ =	shalt  }
0x7c: {  	_ =	shalt  }
0x7d: {  	_ =	shalt  }
0x7e: {  	_ =	shalt  }
0x7f: {  	_ =	shalt  }
0x80: {  	_ =	shalt  }
0x81: {  	_ =	shalt  }
0x82: {  	_ =	shalt  }
0x83: {  	_ =	shalt  }
0x84: {  	_ =	shalt  }
0x85: {  	_ =	shalt  }
0x86: {  	_ =	shalt  }
0x87: {  	_ =	shalt  }
.Lfunc_end0:
.L_simem_size_0:
called_computation.1_lowered:
.L_overlay_start_0:
0x88: {  	s2 =	sld [smem:$0x3FD9]  }
0x89: {  	s3 =	sld [smem:$0x3FFE];
	_ =	sdelay $0x1  }
0x8a: {  	s1 =	srdreg.scid  }
0x8b: {  	s0 =	sand.u32 $0x1, s1  }
0x8c: {  	s17 =	sshll.u32 s0, $0xA;
	s2 =	sadd.s32 s3, s2  }
0x8d: {  	s2 =	sadd.s32 s2, s17  }
0x8e: {  	[smem:$0x3FC5] =	sst s2  }
0x8f: {  	_ = 	snop  }
0x90: {  	s2 =	sld [smem:$0x3FD0];
	(tm) =	ssettm $0x1  }
0x91: {  	s18 =	sld [smem:$0x3FFB];
	_ =	sdelay $0x3  }
0x92: {  	_ =	strace s18  }
0x93: {  	s3 =	sld [smem:$0x3FFC];
	_ =	sdelay $0x3  }
0x94: {  	_ =	strace s3  }
0x95: {  	s3 =	sld [smem:$0x3FFD];
	_ =	sdelay $0x3  }
0x96: {  	_ =	strace s3  }
0x97: {  	_ =	strace $0x8FFFFFFF  }
0x98: {  	s19 =	sld [smem:$0x3FDB];
	_ =	sdelay $0x1  }
0x99: {  	s4 =	simm.s32 $_scs_section_size  }
0x9a: {  	s5 =	simm.s32 $_size__tile_overlayer_lowered;
	s6 =	simm.s32 $_tile_overlayer_lowered  }
0x9b: {  	s22 =	simm.s32 $0x1BFF;
	s21 =	sshll.u32 s6, $0x1;
	s3 =	sadd.s32 s4, s19  }
0x9c: {  	s7 =	simm.s32 $0x0;
	s20 =	sshll.u32 s5, $0x1;
	s5 =	sadd.s32 s21, s3  }
0x9d: {  	[timem:s7], [sflag:s22] =	dma.local [hbm:s5], s20  }
0x9e: {  	_ =	swait.ge [sflag:s22], s20  }
0x9f: {  	s4 =	ssub.s32 $0x0, s20;
	[sflag:s22] =	ssyncset.done $0x0  }
0xa0: {  	[sflag:s22] =	ssyncadd.s32 s4;
	_ =	sdelay $0x1  }
0xa1: {  	s23 =	simm.s32 $0x1B8B  }
0xa2: {  	_ =	swait.ge [sflag:s23], $0x1  }
0xa3: {  	[sflag:s23] =	ssyncset.done $0x0  }
0xa4: {  	s25 =	simm.s32 $0x1B8E;
	s24 =	sld [smem:$0x3FFE];
	[sflag:s23] =	ssyncadd.s32 $0xFFFFFFFF  }
0xa5: {  	s26 =	simm.s32 $execute0_lowered;
	[smem:$0x3FD2] =	sst s25  }
0xa6: {  	s5 =	sshll.u32 s26, $0x1;
	_ =	strace $0x80000049;
	[dreg:$0x1] =	wrdreg $0xFFFFFFFF  }
0xa7: {  	s28 =	simm.s32 $_size_execute0_lowered;
	s3 =	sadd.s32 s3, s5;
	[dreg:$0x0] =	wrdreg $0x0  }
0xa8: {  	s5 =	sshll.u32 s28, $0x1;
	[dreg:$0x2] =	wrdreg s3  }
0xa9: {  	[dreg:$0x3] =	wrdreg s5  }
0xaa: {  	[dreg:$0x4] =	wrdreg $0xC0  }
0xab: {  	_ =	task [dreg:s7], $0x5FFFF  }
0xac: {  	[dreg:$0x1] =	wrdreg $0xFFFFFFFF  }
0xad: {  	[dreg:$0x0] =	wrdreg $0x60  }
0xae: {  	[dreg:$0x2] =	wrdreg s2  }
0xaf: {  	[dreg:$0x3] =	wrdreg s24  }
0xb0: {  	[dreg:$0x4] =	wrdreg $0x29000  }
0xb1: {  	[dreg:$0x5] =	wrdreg $0x9  }
0xb2: {  	_ =	task.clear_ibuf [dreg:s7], $0x6FFFF;
	_ =	strace $0x90000049  }
0xb3: {  	s29 =	simm.s32 $0x9;
	_ =	strace $0x8000004B  }
0xb4: {  	_ =	swait.ge [sflag:s29], $0x1  }
0xb5: {  	[sflag:s29] =	ssyncadd.s32 $0xFFFFFFFF  }
0xb6: {  	_ =	strace $0x9000004B  }
0xb7: {  	_ =	sfence  }
0xb8: {  	s30 =	sld [smem:$0x0];
	_ =	sdelay $0x2  }
0xb9: {  	s31 =	sshll.u32 s1, $0xD;
	s1 =	sshrl.u32 s1, $0x2  }
0xba: {  	s3 =	sand.u32 $0x4000, s31;
	s1 =	sadd.s32 s1, s30  }
0xbb: {  	s0 =	sor.u32 s3, s0;
	s1 =	sshll.u32 s1, $0x11  }
0xbc: {  	s0 =	sor.u32 s1, s0  }
0xbd: {  	s0 =	sadd.s32 $0x8F2B, s0  }
0xbe: {  	[sflag:s0] =	ssyncadd.remote.s32 $0x1  }
0xbf: {  	_ =	sfence.sel $0xFFFF  }
0xc0: {  	[dreg:$0x0] =	wrdreg $0xFFFFFFFF;
	(pc) =	sbr.abs _section_cstart, $3  }
0xc1: {  	[dreg:$0x1] =	wrdreg $0xFFFFFFFF  }
0xc2: {  	_ =	task.clear_ibuf [dreg:s7], $0x2FFFF;
	_ =	strace $0x9FFFFFFF  }
0xc3: {  	(tm) =	ssettm $0x7FFFFFFF  }
tec
execute0_lowered:
.L_overlay_start_1:
0x0: {  	(tag) =	ssettag $0x1  }
0x1: {  	s1 =	rddreg [dreg:$0x0]  }
0x2: {  	s2 =	srdreg.scid;
	s5 =	rddreg [dreg:$0x1]  }
0x3: {  	s0 =	stileid.u32;
	s3 =	rddreg [dreg:$0x2];
	s4 =	simm.s32 $0x0  }
0x4: {  	s13 =	simm.s32 $0x80;
	s14 =	simm.s32 $0x50;
	s7 =	smul.u32 $0x4E20, s0  }
0x5: {  	s15 =	simm.s32 $0x100;
	s16 =	simm.s32 $0x1;
	s26 =	smul.u32 $0x13C00, s0  }
0x6: {  	s6 =	sand.u32 $0x1, s2;
	s2 =	rddreg [dreg:$0x3];
	s29 =	smul.u32 $0x4F000, s0  }
0x7: {  	s17 =	simm.s32 $0x0;
	[smem:$0x7FF] =	sst s4;
	s8 =	smul.u32 $0x2710, s6  }
0x8: {  	s31 =	sshll.u32 s0, $0x6;
	s9 =	smul.u32 $0x13C000, s6;
	s6 =	ssub.s32 $0x2, s6  }
0x9: {  	_ =	strace $0x8000004A;
	s28 =	sshrl.u32 s26, $0x3;
	s11 =	sshrl.u32 s6, $0x1  }
0xa: {  	s30 =	sshrl.u32 s29, $0x2;
	s7 =	sadd.s32 s8, s7;
	s8 =	sadd.s32 s26, s9  }
0xb: {  	s11 =	ssub.s32 s6, s11;
	s12 =	sadd.s32 s30, s3;
	s7 =	sshrl.u32 s7, $0x3  }
0xc: {  	s8 =	sshrl.u32 s8, $0x3;
	s10 =	sadd.s32 s7, s5;
	s7 =	sadd.s32 s28, s5  }
0xd: {  	s6 =	sor.u32 $0x1C02, s31;
	s8 =	sadd.s32 s8, s5;
	s5 =	sadd.s32 $0x14A00, s7  }
0xe: {  	s7 =	sadd.s32 $0x3C200, s8;
	s8 =	smax.u32 s11, $0x1;
	s9 =	sadd.s32 $0xAC00, s10  }
0xf: {  	s10 =	sadd.s32 $0xE00, s10;
	s11 =	sshrl.u32 s12, $0x3;
	s12 =	simm.s32 $0x2  }
.LBB2_1:
0x10: {  	[spmem:s11], [sflag:s6] =	dma.local [hbm:s5], $0x2780  }
0x11: {  	_ =	swait.ge [sflag:s12], $0x2780  }
0x12: {  	[sflag:s12] =	ssyncset.done $0x0  }
0x13: {  	[sflag:s12] =	ssyncadd.s32 $0xFFFFD880  }
0x14: {  	s18 =	sadd.s32 $0x0, s10;
	[bflag:$0x0] =	sbarrier.arrive $0xFFFF  }
0x15: {  	[tilespmem:s4], [sflag:$0x2] =	stream.linear.gather [hbm4b:s18+s4], $0x50, $0x38;
	[tilespmem:$0x16500] =	vst v63  }
0x16: {  	_ =	swait.ge [sflag:s12], $0x50  }
0x17: {  	[sflag:s12] =	ssyncset.done $0x0  }
0x18: {  	s31 =	sadd.s32 $0x0, s9;
	[sflag:s12] =	ssyncadd.s32 $0xFFFFFFB0  }
0x19: {  	[tilespmem:s13], [sflag:$0x2] =	stream.linear.gather [hbm4b:s31+s4], $0x50, $0x38;
	[tilespmem:$0x16500] =	vst v63  }
0x1a: {  	_ =	swait.ge [sflag:s12], $0x50  }
0x1b: {  	[sflag:s12] =	ssyncset.done $0x0  }
0x1c: {  	[sflag:s12] =	ssyncadd.s32 $0xFFFFFFB0  }
0x1d: {  	[tilespmem:s15], [sflag:$0x1] =	stream.indirect.gather [hbm4b:s1+s14], $0x80, s4, s14, $0xb8;
	[tilespmem:$0x16500] =	vst v63  }
0x1e: {  	_ =	swait.ge [sflag:s16], $0x2800  }
0x1f: {  	[sflag:s16] =	ssyncset.done $0x0  }
0x20: {  	[sflag:s16] =	ssyncadd.s32 $0xFFFFD800  }
0x21: {  	[spmem:s3] =	stream.indirect.scatter.add.f32 [tilespmem:s15], [sflag:$0x2], $0x80, s13, s14, $0xb8;
	[tilespmem:$0x16500] =	vst v63  }
0x22: {  	_ =	swait.ge [sflag:s12], $0x2800  }
0x23: {  	s19 =	simm.s32 $0x14;
	s18 =	simm.s32 $0xA;
	[sflag:s12] =	ssyncset.done $0x0  }
.LBB2_2:
0x24: {  	s20 =	sadd.s32 s18, s10  }
0x25: {  	[sflag:s12] =	ssyncadd.s32 $0xFFFFD800;
	s21 =	smov.u32 s19;
	s22 =	sadd.s32 $0xA, s19  }
0x26: {  	[tilespmem:s4], [sflag:$0x2] =	stream.linear.gather [hbm4b:s20+s4], $0x50, $0x38;
	[tilespmem:$0x16500] =	vst v63  }
0x27: {  	p0 =	sne.s32 s19, $0x4D8;
	_ =	swait.ge [sflag:s12], $0x50  }
0x28: {  	[sflag:s12] =	ssyncset.done $0x0  }
0x29: {  	s19 =	sadd.s32 s18, s9;
	s18 =	smov.u32 s21;
	[sflag:s12] =	ssyncadd.s32 $0xFFFFFFB0  }
0x2a: {  	[tilespmem:s13], [sflag:$0x2] =	stream.linear.gather [hbm4b:s19+s4], $0x50, $0x38;
	[tilespmem:$0x16500] =	vst v63  }
0x2b: {  	_ =	swait.ge [sflag:s12], $0x50  }
0x2c: {  	[sflag:s12] =	ssyncset.done $0x0  }
0x2d: {  	[sflag:s12] =	ssyncadd.s32 $0xFFFFFFB0  }
0x2e: {  	[tilespmem:s15], [sflag:$0x1] =	stream.indirect.gather [hbm4b:s1+s14], $0x80, s4, s14, $0xb8;
	[tilespmem:$0x16500] =	vst v63  }
0x2f: {  	_ =	swait.ge [sflag:s16], $0x2800  }
.Ltmp0:
0x30: {  	[sflag:s16] =	ssyncset.done $0x0;
	(pc) =	sbr.rel @p0 .LBB2_2-.Ltmp0, $4  }
0x31: {  	[sflag:s16] =	ssyncadd.s32 $0xFFFFD800  }
0x32: {  	[spmem:s3] =	stream.indirect.scatter.add.f32 [tilespmem:s15], [sflag:$0x2], $0x80, s13, s14, $0xb8;
	[tilespmem:$0x16500] =	vst v63  }
0x33: {  	_ =	swait.ge [sflag:s12], $0x2800  }
0x34: {  	s19 =	smov.u32 s22;
	[sflag:s12] =	ssyncset.done $0x0  }
0x35: {  	s19 =	sadd.s32 s18, s10;
	[sflag:s12] =	ssyncadd.s32 $0xFFFFD800  }
0x36: {  	[tilespmem:s4], [sflag:$0x2] =	stream.linear.gather [hbm4b:s19+s4], $0x50, $0x38;
	[tilespmem:$0x16500] =	vst v63  }
0x37: {  	_ =	swait.ge [sflag:s12], $0x50  }
0x38: {  	[sflag:s12] =	ssyncset.done $0x0  }
0x39: {  	s31 =	sadd.s32 s18, s9;
	[sflag:s12] =	ssyncadd.s32 $0xFFFFFFB0  }
0x3a: {  	[tilespmem:s13], [sflag:$0x2] =	stream.linear.gather [hbm4b:s31+s4], $0x50, $0x38;
	[tilespmem:$0x16500] =	vst v63  }
0x3b: {  	_ =	swait.ge [sflag:s12], $0x50  }
0x3c: {  	[sflag:s12] =	ssyncset.done $0x0  }
0x3d: {  	[sflag:s12] =	ssyncadd.s32 $0xFFFFFFB0  }
0x3e: {  	[tilespmem:s15], [sflag:$0x1] =	stream.indirect.gather [hbm4b:s1+s14], $0x80, s4, s14, $0xb8;
	[tilespmem:$0x16500] =	vst v63  }
0x3f: {  	_ =	swait.ge [sflag:s16], $0x2800  }
0x40: {  	[sflag:s16] =	ssyncset.done $0x0  }
0x41: {  	[sflag:s16] =	ssyncadd.s32 $0xFFFFD800  }
0x42: {  	[spmem:s3] =	stream.indirect.scatter.add.f32 [tilespmem:s15], [sflag:$0x2], $0x80, s13, s14, $0xb8;
	[tilespmem:$0x16500] =	vst v63  }
0x43: {  	_ =	swait.ge [sflag:s12], $0x2800  }
0x44: {  	s17 =	sadd.s32 $0x1, s17;
	[sflag:s12] =	ssyncset.done $0x0  }
0x45: {  	p0 =	sne.s32 s17, s8;
	[sflag:s12] =	ssyncadd.s32 $0xFFFFD800  }
.Ltmp1:
0x46: {  	[bflag:$0x0] =	sbarrier.arrive $0xFFFF;
	(pc) =	sbr.rel @p0 .LBB2_1-.Ltmp1, $4  }
0x47: {  	[hbm:s7], [sflag:s6] =	dma.local [spmem:s11], $0x2780  }
0x48: {  	_ =	swait.ge [sflag:s12], $0x2780  }
0x49: {  	[sflag:s12] =	ssyncset.done $0x0  }
0x4a: {  	[sflag:s12] =	ssyncadd.s32 $0xFFFFD880  }
0x4b: {  	_ =	sfence.sel $0x180000  }
0x4c: {  	[bflag:$0x0] =	sbarrier.arrive $0xFFFF  }
0x4d: {  	p0 =	sne.s32 s0, $0x0;
	_ =	strace $0x9000004A  }
0x4e: {  	s0 =	sadd.s32 @!p0 $0x100000, s2;
	[bflag:$0x2] =	sbarrier.arrive $0xFFFF  }
0x4f: {  	[sflag:s0] =	ssyncadd.tile.s32 @!p0 $0x1;
	_ =	shalt  }
.Lfunc_end2:
_tile_overlayer_lowered:
.L_overlay_start_2:
0x50: {  	(tag) =	ssettag $0x2  }
0x51: {  	s0 =	rddreg [dreg:$0x0];
	s2 =	stileid.u32  }
0x52: {  	s1 =	rddreg [dreg:$0x1];
	p0 =	sne.s32 s2, $0x0  }
0x53: {  	s3 =	rddreg [dreg:$0x2];
	[bflag:$0x3] =	sbarrier.arrive $0xFFFF;
	s2 =	simm.s32 @!p0 $0x1C02  }
0x54: {  	[timem:s3], [sflag:s2] =	dma.local @!p0 [hbm:s0], s1  }
0x55: {  	s0 =	simm.s32 @!p0 $0x2  }
0x56: {  	_ =	swait.ge @!p0 [sflag:s0], s1  }
0x57: {  	s1 =	ssub.s32 @!p0 $0x0, s1;
	[sflag:s0] =	ssyncset.done @!p0 $0x0  }
0x58: {  	[sflag:s0] =	ssyncadd.s32 @!p0 s1  }
0x59: {  	[bflag:$0x3] =	sbarrier.arrive $0xFFFF  }
0x5a: {  	_ =	shalt  }

</sc_bundles>
